<compile_context>
chip_gen: v7x
topology: tpu7x:2x2x1
jax: 0.10.2.dev20260603
libtpu: 0.0.44.dev20260713+nightly
codegen_flags: <defaults>
</compile_context>

<pallas_src>
import functools
import jax
import jax.numpy as jnp
from jax import lax
from jax.experimental import pallas as pl
from jax.experimental.pallas import tpu as pltpu
from jax.experimental.pallas import tpu_sc as plsc

_CHUNK = 128


def _make_gather(n_tok, n_rows, n_hid, shift):
    info = plsc.get_sparse_core_info()
    nw = info.num_cores * info.num_subcores
    cpw = n_tok // (_CHUNK * nw)
    rpw = cpw * _CHUNK
    assert rpw * nw == n_tok and rpw > 2 * shift and shift % 8 == 0
    assert n_rows == n_tok - 2 * shift
    edge_rows = rpw - shift

    mesh = plsc.VectorSubcoreMesh(core_axis_name="c", subcore_axis_name="s")

    @functools.partial(
        pl.kernel,
        mesh=mesh,
        out_type=[
            jax.ShapeDtypeStruct((n_rows, n_hid), jnp.float32),
            jax.ShapeDtypeStruct((n_rows, n_hid), jnp.float32),
            jax.ShapeDtypeStruct((n_rows, n_hid), jnp.float32),
            jax.ShapeDtypeStruct((shift, n_hid), jnp.float32),
        ],
        scratch_types=[
            pltpu.VMEM((cpw, _CHUNK), jnp.int32),
            pltpu.VMEM((rpw, n_hid), jnp.float32),
            pltpu.VMEM((rpw, n_hid), jnp.float32),
            pltpu.SemaphoreType.DMA,
            pltpu.SemaphoreType.DMA,
            pltpu.SemaphoreType.DMA,
            pltpu.SemaphoreType.DMA,
        ],
    )
    def gather2(emb_hbm, aux_hbm, idx_hbm, out1, out_int, out2, out_root,
                idx_v, rows1, rows2, sem_i, sem1, sem2, sem_w):
        wid = lax.axis_index("s") * info.num_cores + lax.axis_index("c")
        first = wid == 0
        last = wid == nw - 1
        base = wid * rpw

        cpi = [
            pltpu.async_copy(idx_hbm.at[pl.ds(base + j * _CHUNK, _CHUNK)],
                             idx_v.at[j], sem_i)
            for j in range(cpw)
        ]
        cps1, cps2 = [], []
        for j in range(cpw):
            sl = pl.ds(j * _CHUNK, _CHUNK)
            cpi[j].wait()
            cps1.append(
                pltpu.async_copy(emb_hbm.at[idx_v.at[j]], rows1.at[sl], sem1))
            cps2.append(
                pltpu.async_copy(aux_hbm.at[idx_v.at[j]], rows2.at[sl], sem2))
        for cp in cps1:
            cp.wait()

        src_off = lax.select(first, shift, 0)
        dst_off = lax.select(first, 0, n_rows - edge_rows)

        @pl.when(first)
        def _():
            pltpu.sync_copy(rows1.at[pl.ds(shift, shift)], out_root)

        @pl.when(first | last)
        def _():
            pltpu.async_copy(rows1.at[pl.ds(src_off, edge_rows)],
                             out1.at[pl.ds(dst_off, edge_rows)], sem_w)
            pltpu.async_copy(rows1.at[pl.ds(src_off, edge_rows)],
                             out_int.at[pl.ds(dst_off, edge_rows)], sem_w)

        @pl.when(~(first | last))
        def _():
            pltpu.async_copy(rows1, out1.at[pl.ds(base - shift, rpw)], sem_w)
            pltpu.async_copy(rows1, out_int.at[pl.ds(base - shift, rpw)],
                             sem_w)

        for cp in cps2:
            cp.wait()

        @pl.when(first | last)
        def _():
            pltpu.sync_copy(rows2.at[pl.ds(src_off, edge_rows)],
                            out2.at[pl.ds(dst_off, edge_rows)])
            pltpu.make_async_copy(rows1.at[pl.ds(src_off, edge_rows)],
                                  out1.at[pl.ds(dst_off, edge_rows)],
                                  sem_w).wait()
            pltpu.make_async_copy(rows1.at[pl.ds(src_off, edge_rows)],
                                  out_int.at[pl.ds(dst_off, edge_rows)],
                                  sem_w).wait()

        @pl.when(~(first | last))
        def _():
            pltpu.sync_copy(rows2, out2.at[pl.ds(base - shift, rpw)])
            pltpu.make_async_copy(rows1, out1.at[pl.ds(base - shift, rpw)],
                                  sem_w).wait()
            pltpu.make_async_copy(rows1,
                                  out_int.at[pl.ds(base - shift, rpw)],
                                  sem_w).wait()

    return gather2


def kernel(input, emb, emb_aux, W, b):
    S, B = input.shape
    L = S - 2
    H = emb.shape[1]
    n = L * B

    idx_flat = input.reshape(-1)
    gather2 = _make_gather(S * B, n, H, B)
    leaves_flat, internal_flat, aux_flat, root = gather2(emb, emb_aux,
                                                         idx_flat)

    leaves = leaves_flat.reshape(L, B, H)
    internal = internal_flat.reshape(L, B, H)
    leaves_aux = aux_flat.reshape(L, B, H)
    leaves_mask = jnp.ones((L, B), dtype=jnp.bool_)
    internal_mask = jnp.ones((L, B), dtype=jnp.bool_)
    return (root, internal, internal_mask, leaves, leaves_aux, leaves_mask)

# --- scband reference (transcript-rebuilt; emitter-appended) ---
"""Pipeline reference for scband-tree-rnn-45887430590706 (READ-ONLY COPY).

The authoritative reference and input builder live on the scoring server;
editing this copy changes nothing except your own understanding.
"""

import jax, jax.numpy as jnp
import numpy as np

NTOKEN = 100000
NHID = 128
SEQ = 512
BATCH = 16
PAD_IDX = 99997  # never generated: randint range is [0, 99997)
PAREN_OPEN = 99998   # never generated
PAREN_CLOSE = 99999  # never generated


def setup_inputs(seed: int = 0) -> dict:
    key = jax.random.key(seed)
    k1, k2, k3, k4 = jax.random.split(key, 4)
    # token ids in [0, 99997): never equal to padding_idx or either paren id
    inp = jax.random.randint(k1, (SEQ, BATCH), 0, 99997, dtype=jnp.int32)
    emb = jax.random.normal(k2, (NTOKEN, NHID), dtype=jnp.float32) * 0.02
    emb_aux = jax.random.normal(k3, (NTOKEN, NHID), dtype=jnp.float32) * 0.02
    # LSTMOp transform params (nn.Linear(2*nhid, 5*nhid)); unused on this input
    # distribution (no close-paren tokens ever appear) but materialized for parity.
    W = jax.random.normal(k4, (5 * NHID, 2 * NHID), dtype=jnp.float32) * 0.02
    b = jnp.zeros((5 * NHID,), dtype=jnp.float32)
    return {"input": inp, "emb": emb, "emb_aux": emb_aux, "W": W, "b": b}


def reference(input, emb, emb_aux, W, b):
    # Faithful translation of TreeRNN.forward for inputs that (by construction)
    # contain no padding_idx, no paren_open and no paren_close tokens:
    #   lens[i] == S for every column i;
    #   parse(input[1:S-1, i]) pushes one leaf embedding per token, never pops,
    #   so internal_states == leaves, root == first leaf (plain tensor branch),
    #   and LSTMOp is never invoked.
    S, B = input.shape
    sent = input[1:S - 1]                      # [L, B]
    L = S - 2
    leaves = jnp.take(emb, sent, axis=0)       # [L, B, H] gather (SparseCore)
    leaves_aux = jnp.take(emb_aux, sent, axis=0)
    internal = leaves                          # one internal state per pushed leaf
    root = leaves[0]                           # stack[0] == first pushed leaf -> [B, H]
    lengths = jnp.full((B,), L, dtype=jnp.int32)
    leaves_mask = jnp.arange(L)[:, None] < lengths[None, :]
    internal_mask = jnp.arange(L)[:, None] < (2 * lengths - 1)[None, :]
    return (root, internal, internal_mask, leaves, leaves_aux, leaves_mask)

if __name__ == "__main__":
    import jax
    _d = setup_inputs()
    print(jax.jit(kernel)(*tuple(_d.values())))

</pallas_src>

<mosaic_0001>
#map = affine_map<(d0, d1) -> (0, 0)>
#map1 = affine_map<(d0, d1) -> (0)>
module attributes {stable_mosaic.version = 14 : i64} {
  func.func @gather2(%arg0: i32, %arg1: i32, %arg2: memref<100000x128xf32, #tpu.memory_space<hbm>>, %arg3: memref<100000x128xf32, #tpu.memory_space<hbm>>, %arg4: memref<8192xi32, #tpu.memory_space<hbm>>, %arg5: memref<8160x128xf32, #tpu.memory_space<hbm>>, %arg6: memref<8160x128xf32, #tpu.memory_space<hbm>>, %arg7: memref<8160x128xf32, #tpu.memory_space<hbm>>, %arg8: memref<16x128xf32, #tpu.memory_space<hbm>>, %arg9: memref<2x128xi32, #tpu.memory_space<vmem>>, %arg10: memref<256x128xf32, #tpu.memory_space<vmem>>, %arg11: memref<256x128xf32, #tpu.memory_space<vmem>>, %arg12: memref<!tpu.dma_semaphore, #tpu.memory_space<semaphore_mem>>, %arg13: memref<!tpu.dma_semaphore, #tpu.memory_space<semaphore_mem>>, %arg14: memref<!tpu.dma_semaphore, #tpu.memory_space<semaphore_mem>>, %arg15: memref<!tpu.dma_semaphore, #tpu.memory_space<semaphore_mem>>) attributes {dimension_semantics = [#tpu.dimension_semantics<core_parallel>, #tpu.dimension_semantics<subcore_parallel>], iteration_bounds = array<i64: 2, 16>, scalar_prefetch = 0 : i64, scratch_operands = 7 : i64, tpu.core_type = #tpu.core_type<sc_vector_subcore>, window_params = [{transform_indices = #map}, {transform_indices = #map}, {transform_indices = #map1}, {transform_indices = #map}, {transform_indices = #map}, {transform_indices = #map}, {transform_indices = #map}]} {
    %mul3A = arith.constant 2 : i32
    %mul3A_0 = arith.muli %arg1, %mul3A : i32
    %add3A = arith.addi %mul3A_0, %arg0 : i32
    %eq3A = arith.constant 0 : i32
    %eq3A_1 = arith.cmpi eq, %add3A, %eq3A : i32
    %eq3A_2 = arith.constant 31 : i32
    %eq3A_3 = arith.cmpi eq, %add3A, %eq3A_2 : i32
    %mul3A_4 = arith.constant 256 : i32
    %mul3A_5 = arith.muli %add3A, %mul3A_4 : i32
    %add3A_6 = arith.constant 0 : i32
    %add3A_7 = arith.addi %mul3A_5, %add3A_6 : i32
    %dma_start3A = arith.constant 0 : i32
    %dma_start3A_8 = arith.constant 0 : i32
    %dma_start3A_9 = tpu.memref_slice %arg9[%dma_start3A, %dma_start3A_8] : memref<2x128xi32, #tpu.memory_space<vmem>> -> memref<1x128xi32, #tpu.memory_space<vmem>>
    %dma_start3A_10 = tpu.memref_squeeze %dma_start3A_9 : memref<1x128xi32, #tpu.memory_space<vmem>> -> memref<128xi32, #tpu.memory_space<vmem>>
    %dma_start3A_11 = tpu.memref_slice %arg4[%add3A_7] : memref<8192xi32, #tpu.memory_space<hbm>> -> memref<128xi32, #tpu.memory_space<hbm>>
    %dma_start3A_12 = arith.constant 0 : i32
    %dma_start3A_13 = tpu.memref_slice %arg9[%dma_start3A, %dma_start3A_12] : memref<2x128xi32, #tpu.memory_space<vmem>> -> memref<1x128xi32, #tpu.memory_space<vmem>>
    %dma_start3A_14 = tpu.memref_squeeze %dma_start3A_13 : memref<1x128xi32, #tpu.memory_space<vmem>> -> memref<128xi32, #tpu.memory_space<vmem>>
    %dma_start3A_15 = tpu.memref_slice %arg4[%add3A_7] : memref<8192xi32, #tpu.memory_space<hbm>> -> memref<128xi32, #tpu.memory_space<hbm>>
    tpu.enqueue_dma source(%dma_start3A_15 : memref<128xi32, #tpu.memory_space<hbm>>) target(%dma_start3A_14 : memref<128xi32, #tpu.memory_space<vmem>>) target_semaphore(%arg12 : memref<!tpu.dma_semaphore, #tpu.memory_space<semaphore_mem>>)
    %add3A_16 = arith.constant 128 : i32
    %add3A_17 = arith.addi %mul3A_5, %add3A_16 : i32
    %dma_start3A_18 = arith.constant 1 : i32
    %dma_start3A_19 = arith.constant 0 : i32
    %dma_start3A_20 = tpu.memref_slice %arg9[%dma_start3A_18, %dma_start3A_19] : memref<2x128xi32, #tpu.memory_space<vmem>> -> memref<1x128xi32, #tpu.memory_space<vmem>>
    %dma_start3A_21 = tpu.memref_squeeze %dma_start3A_20 : memref<1x128xi32, #tpu.memory_space<vmem>> -> memref<128xi32, #tpu.memory_space<vmem>>
    %dma_start3A_22 = tpu.memref_slice %arg4[%add3A_17] : memref<8192xi32, #tpu.memory_space<hbm>> -> memref<128xi32, #tpu.memory_space<hbm>>
    %dma_start3A_23 = arith.constant 0 : i32
    %dma_start3A_24 = tpu.memref_slice %arg9[%dma_start3A_18, %dma_start3A_23] : memref<2x128xi32, #tpu.memory_space<vmem>> -> memref<1x128xi32, #tpu.memory_space<vmem>>
    %dma_start3A_25 = tpu.memref_squeeze %dma_start3A_24 : memref<1x128xi32, #tpu.memory_space<vmem>> -> memref<128xi32, #tpu.memory_space<vmem>>
    %dma_start3A_26 = tpu.memref_slice %arg4[%add3A_17] : memref<8192xi32, #tpu.memory_space<hbm>> -> memref<128xi32, #tpu.memory_space<hbm>>
    tpu.enqueue_dma source(%dma_start3A_26 : memref<128xi32, #tpu.memory_space<hbm>>) target(%dma_start3A_25 : memref<128xi32, #tpu.memory_space<vmem>>) target_semaphore(%arg12 : memref<!tpu.dma_semaphore, #tpu.memory_space<semaphore_mem>>)
    %dma_wait3A = arith.constant 0 : i32
    %dma_wait3A_27 = arith.constant 0 : i32
    %dma_wait3A_28 = tpu.memref_slice %arg9[%dma_wait3A, %dma_wait3A_27] : memref<2x128xi32, #tpu.memory_space<vmem>> -> memref<1x128xi32, #tpu.memory_space<vmem>>
    %dma_wait3A_29 = tpu.memref_squeeze %dma_wait3A_28 : memref<1x128xi32, #tpu.memory_space<vmem>> -> memref<128xi32, #tpu.memory_space<vmem>>
    %dma_wait3A_30 = tpu.memref_slice %arg4[%add3A_7] : memref<8192xi32, #tpu.memory_space<hbm>> -> memref<128xi32, #tpu.memory_space<hbm>>
    %dma_wait3A_31 = arith.constant 0 : i32
    %dma_wait3A_32 = tpu.memref_slice %arg9[%dma_wait3A, %dma_wait3A_31] : memref<2x128xi32, #tpu.memory_space<vmem>> -> memref<1x128xi32, #tpu.memory_space<vmem>>
    %dma_wait3A_33 = tpu.memref_squeeze %dma_wait3A_32 : memref<1x128xi32, #tpu.memory_space<vmem>> -> memref<128xi32, #tpu.memory_space<vmem>>
    %dma_wait3A_34 = tpu.memref_slice %arg4[%add3A_7] : memref<8192xi32, #tpu.memory_space<hbm>> -> memref<128xi32, #tpu.memory_space<hbm>>
    tpu.wait_dma2 semaphore(%arg12 : memref<!tpu.dma_semaphore, #tpu.memory_space<semaphore_mem>>) src(%dma_wait3A_34 : memref<128xi32, #tpu.memory_space<hbm>>) dst(%dma_wait3A_33 : memref<128xi32, #tpu.memory_space<vmem>>)
    %dma_start3A_35 = arith.constant 0 : i32
    %dma_start3A_36 = arith.constant 0 : i32
    %dma_start3A_37 = arith.constant 0 : i32
    %dma_start3A_38 = tpu.memref_slice %arg10[%dma_start3A_36, %dma_start3A_37] : memref<256x128xf32, #tpu.memory_space<vmem>> -> memref<128x128xf32, #tpu.memory_space<vmem>>
    %dma_start3A_39 = arith.constant 0 : i32
    %dma_start3A_40 = tpu.memref_slice %arg9[%dma_start3A_35, %dma_start3A_39] : memref<2x128xi32, #tpu.memory_space<vmem>> -> memref<1x128xi32, #tpu.memory_space<vmem>>
    %dma_start3A_41 = tpu.memref_squeeze %dma_start3A_40 : memref<1x128xi32, #tpu.memory_space<vmem>> -> memref<128xi32, #tpu.memory_space<vmem>>
    %dma_start3A_42 = arith.constant 0 : i32
    %dma_start3A_43 = arith.constant 0 : i32
    %dma_start3A_44 = tpu.memref_slice %arg2[%dma_start3A_42, %dma_start3A_43] : memref<100000x128xf32, #tpu.memory_space<hbm>> -> memref<100000x128xf32, #tpu.memory_space<hbm>>
    tpu.enqueue_indirect_dma source(%dma_start3A_44 : memref<100000x128xf32, #tpu.memory_space<hbm>>) target(%dma_start3A_38 : memref<128x128xf32, #tpu.memory_space<vmem>>) offsets(%dma_start3A_41 : memref<128xi32, #tpu.memory_space<vmem>>) semaphore(%arg13 : memref<!tpu.dma_semaphore, #tpu.memory_space<semaphore_mem>>)
    %dma_start3A_45 = arith.constant 0 : i32
    %dma_start3A_46 = arith.constant 0 : i32
    %dma_start3A_47 = arith.constant 0 : i32
    %dma_start3A_48 = tpu.memref_slice %arg11[%dma_start3A_46, %dma_start3A_47] : memref<256x128xf32, #tpu.memory_space<vmem>> -> memref<128x128xf32, #tpu.memory_space<vmem>>
    %dma_start3A_49 = arith.constant 0 : i32
    %dma_start3A_50 = tpu.memref_slice %arg9[%dma_start3A_45, %dma_start3A_49] : memref<2x128xi32, #tpu.memory_space<vmem>> -> memref<1x128xi32, #tpu.memory_space<vmem>>
    %dma_start3A_51 = tpu.memref_squeeze %dma_start3A_50 : memref<1x128xi32, #tpu.memory_space<vmem>> -> memref<128xi32, #tpu.memory_space<vmem>>
    %dma_start3A_52 = arith.constant 0 : i32
    %dma_start3A_53 = arith.constant 0 : i32
    %dma_start3A_54 = tpu.memref_slice %arg3[%dma_start3A_52, %dma_start3A_53] : memref<100000x128xf32, #tpu.memory_space<hbm>> -> memref<100000x128xf32, #tpu.memory_space<hbm>>
    tpu.enqueue_indirect_dma source(%dma_start3A_54 : memref<100000x128xf32, #tpu.memory_space<hbm>>) target(%dma_start3A_48 : memref<128x128xf32, #tpu.memory_space<vmem>>) offsets(%dma_start3A_51 : memref<128xi32, #tpu.memory_space<vmem>>) semaphore(%arg14 : memref<!tpu.dma_semaphore, #tpu.memory_space<semaphore_mem>>)
    %dma_wait3A_55 = arith.constant 1 : i32
    %dma_wait3A_56 = arith.constant 0 : i32
    %dma_wait3A_57 = tpu.memref_slice %arg9[%dma_wait3A_55, %dma_wait3A_56] : memref<2x128xi32, #tpu.memory_space<vmem>> -> memref<1x128xi32, #tpu.memory_space<vmem>>
    %dma_wait3A_58 = tpu.memref_squeeze %dma_wait3A_57 : memref<1x128xi32, #tpu.memory_space<vmem>> -> memref<128xi32, #tpu.memory_space<vmem>>
    %dma_wait3A_59 = tpu.memref_slice %arg4[%add3A_17] : memref<8192xi32, #tpu.memory_space<hbm>> -> memref<128xi32, #tpu.memory_space<hbm>>
    %dma_wait3A_60 = arith.constant 0 : i32
    %dma_wait3A_61 = tpu.memref_slice %arg9[%dma_wait3A_55, %dma_wait3A_60] : memref<2x128xi32, #tpu.memory_space<vmem>> -> memref<1x128xi32, #tpu.memory_space<vmem>>
    %dma_wait3A_62 = tpu.memref_squeeze %dma_wait3A_61 : memref<1x128xi32, #tpu.memory_space<vmem>> -> memref<128xi32, #tpu.memory_space<vmem>>
    %dma_wait3A_63 = tpu.memref_slice %arg4[%add3A_17] : memref<8192xi32, #tpu.memory_space<hbm>> -> memref<128xi32, #tpu.memory_space<hbm>>
    tpu.wait_dma2 semaphore(%arg12 : memref<!tpu.dma_semaphore, #tpu.memory_space<semaphore_mem>>) src(%dma_wait3A_63 : memref<128xi32, #tpu.memory_space<hbm>>) dst(%dma_wait3A_62 : memref<128xi32, #tpu.memory_space<vmem>>)
    %dma_start3A_64 = arith.constant 1 : i32
    %dma_start3A_65 = arith.constant 128 : i32
    %dma_start3A_66 = arith.constant 0 : i32
    %dma_start3A_67 = tpu.memref_slice %arg10[%dma_start3A_65, %dma_start3A_66] : memref<256x128xf32, #tpu.memory_space<vmem>> -> memref<128x128xf32, #tpu.memory_space<vmem>>
    %dma_start3A_68 = arith.constant 0 : i32
    %dma_start3A_69 = tpu.memref_slice %arg9[%dma_start3A_64, %dma_start3A_68] : memref<2x128xi32, #tpu.memory_space<vmem>> -> memref<1x128xi32, #tpu.memory_space<vmem>>
    %dma_start3A_70 = tpu.memref_squeeze %dma_start3A_69 : memref<1x128xi32, #tpu.memory_space<vmem>> -> memref<128xi32, #tpu.memory_space<vmem>>
    %dma_start3A_71 = arith.constant 0 : i32
    %dma_start3A_72 = arith.constant 0 : i32
    %dma_start3A_73 = tpu.memref_slice %arg2[%dma_start3A_71, %dma_start3A_72] : memref<100000x128xf32, #tpu.memory_space<hbm>> -> memref<100000x128xf32, #tpu.memory_space<hbm>>
    tpu.enqueue_indirect_dma source(%dma_start3A_73 : memref<100000x128xf32, #tpu.memory_space<hbm>>) target(%dma_start3A_67 : memref<128x128xf32, #tpu.memory_space<vmem>>) offsets(%dma_start3A_70 : memref<128xi32, #tpu.memory_space<vmem>>) semaphore(%arg13 : memref<!tpu.dma_semaphore, #tpu.memory_space<semaphore_mem>>)
    %dma_start3A_74 = arith.constant 1 : i32
    %dma_start3A_75 = arith.constant 128 : i32
    %dma_start3A_76 = arith.constant 0 : i32
    %dma_start3A_77 = tpu.memref_slice %arg11[%dma_start3A_75, %dma_start3A_76] : memref<256x128xf32, #tpu.memory_space<vmem>> -> memref<128x128xf32, #tpu.memory_space<vmem>>
    %dma_start3A_78 = arith.constant 0 : i32
    %dma_start3A_79 = tpu.memref_slice %arg9[%dma_start3A_74, %dma_start3A_78] : memref<2x128xi32, #tpu.memory_space<vmem>> -> memref<1x128xi32, #tpu.memory_space<vmem>>
    %dma_start3A_80 = tpu.memref_squeeze %dma_start3A_79 : memref<1x128xi32, #tpu.memory_space<vmem>> -> memref<128xi32, #tpu.memory_space<vmem>>
    %dma_start3A_81 = arith.constant 0 : i32
    %dma_start3A_82 = arith.constant 0 : i32
    %dma_start3A_83 = tpu.memref_slice %arg3[%dma_start3A_81, %dma_start3A_82] : memref<100000x128xf32, #tpu.memory_space<hbm>> -> memref<100000x128xf32, #tpu.memory_space<hbm>>
    tpu.enqueue_indirect_dma source(%dma_start3A_83 : memref<100000x128xf32, #tpu.memory_space<hbm>>) target(%dma_start3A_77 : memref<128x128xf32, #tpu.memory_space<vmem>>) offsets(%dma_start3A_80 : memref<128xi32, #tpu.memory_space<vmem>>) semaphore(%arg14 : memref<!tpu.dma_semaphore, #tpu.memory_space<semaphore_mem>>)
    %dma_wait3A_84 = arith.constant 0 : i32
    %dma_wait3A_85 = arith.constant 0 : i32
    %dma_wait3A_86 = arith.constant 0 : i32
    %dma_wait3A_87 = tpu.memref_slice %arg10[%dma_wait3A_85, %dma_wait3A_86] : memref<256x128xf32, #tpu.memory_space<vmem>> -> memref<128x128xf32, #tpu.memory_space<vmem>>
    %dma_wait3A_88 = arith.constant 0 : i32
    %dma_wait3A_89 = tpu.memref_slice %arg9[%dma_wait3A_84, %dma_wait3A_88] : memref<2x128xi32, #tpu.memory_space<vmem>> -> memref<1x128xi32, #tpu.memory_space<vmem>>
    %dma_wait3A_90 = tpu.memref_squeeze %dma_wait3A_89 : memref<1x128xi32, #tpu.memory_space<vmem>> -> memref<128xi32, #tpu.memory_space<vmem>>
    %dma_wait3A_91 = arith.constant 0 : i32
    %dma_wait3A_92 = arith.constant 0 : i32
    %dma_wait3A_93 = tpu.memref_slice %arg2[%dma_wait3A_91, %dma_wait3A_92] : memref<100000x128xf32, #tpu.memory_space<hbm>> -> memref<100000x128xf32, #tpu.memory_space<hbm>>
    tpu.wait_indirect_dma semaphore(%arg13 : memref<!tpu.dma_semaphore, #tpu.memory_space<semaphore_mem>>) src(%dma_wait3A_93 : memref<100000x128xf32, #tpu.memory_space<hbm>>) dst(%dma_wait3A_87 : memref<128x128xf32, #tpu.memory_space<vmem>>)
    %dma_wait3A_94 = arith.constant 1 : i32
    %dma_wait3A_95 = arith.constant 128 : i32
    %dma_wait3A_96 = arith.constant 0 : i32
    %dma_wait3A_97 = tpu.memref_slice %arg10[%dma_wait3A_95, %dma_wait3A_96] : memref<256x128xf32, #tpu.memory_space<vmem>> -> memref<128x128xf32, #tpu.memory_space<vmem>>
    %dma_wait3A_98 = arith.constant 0 : i32
    %dma_wait3A_99 = tpu.memref_slice %arg9[%dma_wait3A_94, %dma_wait3A_98] : memref<2x128xi32, #tpu.memory_space<vmem>> -> memref<1x128xi32, #tpu.memory_space<vmem>>
    %dma_wait3A_100 = tpu.memref_squeeze %dma_wait3A_99 : memref<1x128xi32, #tpu.memory_space<vmem>> -> memref<128xi32, #tpu.memory_space<vmem>>
    %dma_wait3A_101 = arith.constant 0 : i32
    %dma_wait3A_102 = arith.constant 0 : i32
    %dma_wait3A_103 = tpu.memref_slice %arg2[%dma_wait3A_101, %dma_wait3A_102] : memref<100000x128xf32, #tpu.memory_space<hbm>> -> memref<100000x128xf32, #tpu.memory_space<hbm>>
    tpu.wait_indirect_dma semaphore(%arg13 : memref<!tpu.dma_semaphore, #tpu.memory_space<semaphore_mem>>) src(%dma_wait3A_103 : memref<100000x128xf32, #tpu.memory_space<hbm>>) dst(%dma_wait3A_97 : memref<128x128xf32, #tpu.memory_space<vmem>>)
    %select_n3A = arith.constant 0 : i32
    %select_n3A_104 = arith.constant 16 : i32
    %select_n3A_105 = arith.select %eq3A_1, %select_n3A_104, %select_n3A : i32
    %select_n3A_106 = arith.constant 7920 : i32
    %select_n3A_107 = arith.constant 0 : i32
    %select_n3A_108 = arith.select %eq3A_1, %select_n3A_107, %select_n3A_106 : i32
    %convert_element_type3A = arith.extui %eq3A_1 : i1 to i32
    %cond3A = arith.constant 0 : i32
    %cond3A_109 = arith.cmpi ne, %convert_element_type3A, %cond3A : i32
    scf.if %cond3A_109 {
      "tpu.region"() ({
        %run_scoped3A = tpu.sem_alloc : memref<!tpu.dma_semaphore, #tpu.memory_space<semaphore_mem>>
        %dma_start3A_148 = arith.constant 16 : i32
        %dma_start3A_149 = arith.constant 0 : i32
        %dma_start3A_150 = tpu.memref_slice %arg10[%dma_start3A_148, %dma_start3A_149] : memref<256x128xf32, #tpu.memory_space<vmem>> -> memref<16x128xf32, #tpu.memory_space<vmem>>
        %dma_start3A_151 = arith.constant 16 : i32
        %dma_start3A_152 = arith.constant 0 : i32
        %dma_start3A_153 = tpu.memref_slice %arg10[%dma_start3A_151, %dma_start3A_152] : memref<256x128xf32, #tpu.memory_space<vmem>> -> memref<16x128xf32, #tpu.memory_space<vmem>>
        tpu.enqueue_dma source(%dma_start3A_153 : memref<16x128xf32, #tpu.memory_space<vmem>>) target(%arg8 : memref<16x128xf32, #tpu.memory_space<hbm>>) target_semaphore(%run_scoped3A : memref<!tpu.dma_semaphore, #tpu.memory_space<semaphore_mem>>)
        %dma_wait3A_154 = arith.constant 16 : i32
        %dma_wait3A_155 = arith.constant 0 : i32
        %dma_wait3A_156 = tpu.memref_slice %arg10[%dma_wait3A_154, %dma_wait3A_155] : memref<256x128xf32, #tpu.memory_space<vmem>> -> memref<16x128xf32, #tpu.memory_space<vmem>>
        %dma_wait3A_157 = arith.constant 16 : i32
        %dma_wait3A_158 = arith.constant 0 : i32
        %dma_wait3A_159 = tpu.memref_slice %arg10[%dma_wait3A_157, %dma_wait3A_158] : memref<256x128xf32, #tpu.memory_space<vmem>> -> memref<16x128xf32, #tpu.memory_space<vmem>>
        tpu.wait_dma2 semaphore(%run_scoped3A : memref<!tpu.dma_semaphore, #tpu.memory_space<semaphore_mem>>) src(%dma_wait3A_159 : memref<16x128xf32, #tpu.memory_space<vmem>>) dst(%arg8 : memref<16x128xf32, #tpu.memory_space<hbm>>)
        tpu.yield
      }) : () -> ()
    } else {
    }
    %or3A = arith.ori %eq3A_1, %eq3A_3 : i1
    %convert_element_type3A_110 = arith.extui %or3A : i1 to i32
    %cond3A_111 = arith.constant 0 : i32
    %cond3A_112 = arith.cmpi ne, %convert_element_type3A_110, %cond3A_111 : i32
    scf.if %cond3A_112 {
      %dma_start3A_148 = arith.constant 0 : i32
      %dma_start3A_149 = tpu.memref_slice %arg10[%select_n3A_105, %dma_start3A_148] : memref<256x128xf32, #tpu.memory_space<vmem>> -> memref<240x128xf32, #tpu.memory_space<vmem>>
      %dma_start3A_150 = arith.constant 0 : i32
      %dma_start3A_151 = tpu.memref_slice %arg5[%select_n3A_108, %dma_start3A_150] : memref<8160x128xf32, #tpu.memory_space<hbm>> -> memref<240x128xf32, #tpu.memory_space<hbm>>
      %dma_start3A_152 = arith.constant 0 : i32
      %dma_start3A_153 = tpu.memref_slice %arg5[%select_n3A_108, %dma_start3A_152] : memref<8160x128xf32, #tpu.memory_space<hbm>> -> memref<240x128xf32, #tpu.memory_space<hbm>>
      %dma_start3A_154 = arith.constant 0 : i32
      %dma_start3A_155 = tpu.memref_slice %arg10[%select_n3A_105, %dma_start3A_154] : memref<256x128xf32, #tpu.memory_space<vmem>> -> memref<240x128xf32, #tpu.memory_space<vmem>>
      tpu.enqueue_dma source(%dma_start3A_155 : memref<240x128xf32, #tpu.memory_space<vmem>>) target(%dma_start3A_153 : memref<240x128xf32, #tpu.memory_space<hbm>>) target_semaphore(%arg15 : memref<!tpu.dma_semaphore, #tpu.memory_space<semaphore_mem>>)
      %dma_start3A_156 = arith.constant 0 : i32
      %dma_start3A_157 = tpu.memref_slice %arg10[%select_n3A_105, %dma_start3A_156] : memref<256x128xf32, #tpu.memory_space<vmem>> -> memref<240x128xf32, #tpu.memory_space<vmem>>
      %dma_start3A_158 = arith.constant 0 : i32
      %dma_start3A_159 = tpu.memref_slice %arg6[%select_n3A_108, %dma_start3A_158] : memref<8160x128xf32, #tpu.memory_space<hbm>> -> memref<240x128xf32, #tpu.memory_space<hbm>>
      %dma_start3A_160 = arith.constant 0 : i32
      %dma_start3A_161 = tpu.memref_slice %arg6[%select_n3A_108, %dma_start3A_160] : memref<8160x128xf32, #tpu.memory_space<hbm>> -> memref<240x128xf32, #tpu.memory_space<hbm>>
      %dma_start3A_162 = arith.constant 0 : i32
      %dma_start3A_163 = tpu.memref_slice %arg10[%select_n3A_105, %dma_start3A_162] : memref<256x128xf32, #tpu.memory_space<vmem>> -> memref<240x128xf32, #tpu.memory_space<vmem>>
      tpu.enqueue_dma source(%dma_start3A_163 : memref<240x128xf32, #tpu.memory_space<vmem>>) target(%dma_start3A_161 : memref<240x128xf32, #tpu.memory_space<hbm>>) target_semaphore(%arg15 : memref<!tpu.dma_semaphore, #tpu.memory_space<semaphore_mem>>)
    } else {
    }
    %or3A_113 = arith.ori %eq3A_1, %eq3A_3 : i1
    %not3A = arith.constant true
    %not3A_114 = arith.xori %or3A_113, %not3A : i1
    %convert_element_type3A_115 = arith.extui %not3A_114 : i1 to i32
    %cond3A_116 = arith.constant 0 : i32
    %cond3A_117 = arith.cmpi ne, %convert_element_type3A_115, %cond3A_116 : i32
    scf.if %cond3A_117 {
      %sub3A = arith.constant 16 : i32
      %sub3A_148 = arith.subi %mul3A_5, %sub3A : i32
      %dma_start3A_149 = arith.constant 0 : i32
      %dma_start3A_150 = tpu.memref_slice %arg5[%sub3A_148, %dma_start3A_149] : memref<8160x128xf32, #tpu.memory_space<hbm>> -> memref<256x128xf32, #tpu.memory_space<hbm>>
      %dma_start3A_151 = arith.constant 0 : i32
      %dma_start3A_152 = tpu.memref_slice %arg5[%sub3A_148, %dma_start3A_151] : memref<8160x128xf32, #tpu.memory_space<hbm>> -> memref<256x128xf32, #tpu.memory_space<hbm>>
      tpu.enqueue_dma source(%arg10 : memref<256x128xf32, #tpu.memory_space<vmem>>) target(%dma_start3A_152 : memref<256x128xf32, #tpu.memory_space<hbm>>) target_semaphore(%arg15 : memref<!tpu.dma_semaphore, #tpu.memory_space<semaphore_mem>>)
      %sub3A_153 = arith.constant 16 : i32
      %sub3A_154 = arith.subi %mul3A_5, %sub3A_153 : i32
      %dma_start3A_155 = arith.constant 0 : i32
      %dma_start3A_156 = tpu.memref_slice %arg6[%sub3A_154, %dma_start3A_155] : memref<8160x128xf32, #tpu.memory_space<hbm>> -> memref<256x128xf32, #tpu.memory_space<hbm>>
      %dma_start3A_157 = arith.constant 0 : i32
      %dma_start3A_158 = tpu.memref_slice %arg6[%sub3A_154, %dma_start3A_157] : memref<8160x128xf32, #tpu.memory_space<hbm>> -> memref<256x128xf32, #tpu.memory_space<hbm>>
      tpu.enqueue_dma source(%arg10 : memref<256x128xf32, #tpu.memory_space<vmem>>) target(%dma_start3A_158 : memref<256x128xf32, #tpu.memory_space<hbm>>) target_semaphore(%arg15 : memref<!tpu.dma_semaphore, #tpu.memory_space<semaphore_mem>>)
    } else {
    }
    %dma_wait3A_118 = arith.constant 0 : i32
    %dma_wait3A_119 = arith.constant 0 : i32
    %dma_wait3A_120 = arith.constant 0 : i32
    %dma_wait3A_121 = tpu.memref_slice %arg11[%dma_wait3A_119, %dma_wait3A_120] : memref<256x128xf32, #tpu.memory_space<vmem>> -> memref<128x128xf32, #tpu.memory_space<vmem>>
    %dma_wait3A_122 = arith.constant 0 : i32
    %dma_wait3A_123 = tpu.memref_slice %arg9[%dma_wait3A_118, %dma_wait3A_122] : memref<2x128xi32, #tpu.memory_space<vmem>> -> memref<1x128xi32, #tpu.memory_space<vmem>>
    %dma_wait3A_124 = tpu.memref_squeeze %dma_wait3A_123 : memref<1x128xi32, #tpu.memory_space<vmem>> -> memref<128xi32, #tpu.memory_space<vmem>>
    %dma_wait3A_125 = arith.constant 0 : i32
    %dma_wait3A_126 = arith.constant 0 : i32
    %dma_wait3A_127 = tpu.memref_slice %arg3[%dma_wait3A_125, %dma_wait3A_126] : memref<100000x128xf32, #tpu.memory_space<hbm>> -> memref<100000x128xf32, #tpu.memory_space<hbm>>
    tpu.wait_indirect_dma semaphore(%arg14 : memref<!tpu.dma_semaphore, #tpu.memory_space<semaphore_mem>>) src(%dma_wait3A_127 : memref<100000x128xf32, #tpu.memory_space<hbm>>) dst(%dma_wait3A_121 : memref<128x128xf32, #tpu.memory_space<vmem>>)
    %dma_wait3A_128 = arith.constant 1 : i32
    %dma_wait3A_129 = arith.constant 128 : i32
    %dma_wait3A_130 = arith.constant 0 : i32
    %dma_wait3A_131 = tpu.memref_slice %arg11[%dma_wait3A_129, %dma_wait3A_130] : memref<256x128xf32, #tpu.memory_space<vmem>> -> memref<128x128xf32, #tpu.memory_space<vmem>>
    %dma_wait3A_132 = arith.constant 0 : i32
    %dma_wait3A_133 = tpu.memref_slice %arg9[%dma_wait3A_128, %dma_wait3A_132] : memref<2x128xi32, #tpu.memory_space<vmem>> -> memref<1x128xi32, #tpu.memory_space<vmem>>
    %dma_wait3A_134 = tpu.memref_squeeze %dma_wait3A_133 : memref<1x128xi32, #tpu.memory_space<vmem>> -> memref<128xi32, #tpu.memory_space<vmem>>
    %dma_wait3A_135 = arith.constant 0 : i32
    %dma_wait3A_136 = arith.constant 0 : i32
    %dma_wait3A_137 = tpu.memref_slice %arg3[%dma_wait3A_135, %dma_wait3A_136] : memref<100000x128xf32, #tpu.memory_space<hbm>> -> memref<100000x128xf32, #tpu.memory_space<hbm>>
    tpu.wait_indirect_dma semaphore(%arg14 : memref<!tpu.dma_semaphore, #tpu.memory_space<semaphore_mem>>) src(%dma_wait3A_137 : memref<100000x128xf32, #tpu.memory_space<hbm>>) dst(%dma_wait3A_131 : memref<128x128xf32, #tpu.memory_space<vmem>>)
    %or3A_138 = arith.ori %eq3A_1, %eq3A_3 : i1
    %convert_element_type3A_139 = arith.extui %or3A_138 : i1 to i32
    %cond3A_140 = arith.constant 0 : i32
    %cond3A_141 = arith.cmpi ne, %convert_element_type3A_139, %cond3A_140 : i32
    scf.if %cond3A_141 {
      "tpu.region"() ({
        %run_scoped3A = tpu.sem_alloc : memref<!tpu.dma_semaphore, #tpu.memory_space<semaphore_mem>>
        %dma_start3A_164 = arith.constant 0 : i32
        %dma_start3A_165 = tpu.memref_slice %arg11[%select_n3A_105, %dma_start3A_164] : memref<256x128xf32, #tpu.memory_space<vmem>> -> memref<240x128xf32, #tpu.memory_space<vmem>>
        %dma_start3A_166 = arith.constant 0 : i32
        %dma_start3A_167 = tpu.memref_slice %arg7[%select_n3A_108, %dma_start3A_166] : memref<8160x128xf32, #tpu.memory_space<hbm>> -> memref<240x128xf32, #tpu.memory_space<hbm>>
        %dma_start3A_168 = arith.constant 0 : i32
        %dma_start3A_169 = tpu.memref_slice %arg7[%select_n3A_108, %dma_start3A_168] : memref<8160x128xf32, #tpu.memory_space<hbm>> -> memref<240x128xf32, #tpu.memory_space<hbm>>
        %dma_start3A_170 = arith.constant 0 : i32
        %dma_start3A_171 = tpu.memref_slice %arg11[%select_n3A_105, %dma_start3A_170] : memref<256x128xf32, #tpu.memory_space<vmem>> -> memref<240x128xf32, #tpu.memory_space<vmem>>
        tpu.enqueue_dma source(%dma_start3A_171 : memref<240x128xf32, #tpu.memory_space<vmem>>) target(%dma_start3A_169 : memref<240x128xf32, #tpu.memory_space<hbm>>) target_semaphore(%run_scoped3A : memref<!tpu.dma_semaphore, #tpu.memory_space<semaphore_mem>>)
        %dma_wait3A_172 = arith.constant 0 : i32
        %dma_wait3A_173 = tpu.memref_slice %arg11[%select_n3A_105, %dma_wait3A_172] : memref<256x128xf32, #tpu.memory_space<vmem>> -> memref<240x128xf32, #tpu.memory_space<vmem>>
        %dma_wait3A_174 = arith.constant 0 : i32
        %dma_wait3A_175 = tpu.memref_slice %arg7[%select_n3A_108, %dma_wait3A_174] : memref<8160x128xf32, #tpu.memory_space<hbm>> -> memref<240x128xf32, #tpu.memory_space<hbm>>
        %dma_wait3A_176 = arith.constant 0 : i32
        %dma_wait3A_177 = tpu.memref_slice %arg7[%select_n3A_108, %dma_wait3A_176] : memref<8160x128xf32, #tpu.memory_space<hbm>> -> memref<240x128xf32, #tpu.memory_space<hbm>>
        %dma_wait3A_178 = arith.constant 0 : i32
        %dma_wait3A_179 = tpu.memref_slice %arg11[%select_n3A_105, %dma_wait3A_178] : memref<256x128xf32, #tpu.memory_space<vmem>> -> memref<240x128xf32, #tpu.memory_space<vmem>>
        tpu.wait_dma2 semaphore(%run_scoped3A : memref<!tpu.dma_semaphore, #tpu.memory_space<semaphore_mem>>) src(%dma_wait3A_179 : memref<240x128xf32, #tpu.memory_space<vmem>>) dst(%dma_wait3A_177 : memref<240x128xf32, #tpu.memory_space<hbm>>)
        tpu.yield
      }) : () -> ()
      %dma_wait3A_148 = arith.constant 0 : i32
      %dma_wait3A_149 = tpu.memref_slice %arg10[%select_n3A_105, %dma_wait3A_148] : memref<256x128xf32, #tpu.memory_space<vmem>> -> memref<240x128xf32, #tpu.memory_space<vmem>>
      %dma_wait3A_150 = arith.constant 0 : i32
      %dma_wait3A_151 = tpu.memref_slice %arg5[%select_n3A_108, %dma_wait3A_150] : memref<8160x128xf32, #tpu.memory_space<hbm>> -> memref<240x128xf32, #tpu.memory_space<hbm>>
      %dma_wait3A_152 = arith.constant 0 : i32
      %dma_wait3A_153 = tpu.memref_slice %arg5[%select_n3A_108, %dma_wait3A_152] : memref<8160x128xf32, #tpu.memory_space<hbm>> -> memref<240x128xf32, #tpu.memory_space<hbm>>
      %dma_wait3A_154 = arith.constant 0 : i32
      %dma_wait3A_155 = tpu.memref_slice %arg10[%select_n3A_105, %dma_wait3A_154] : memref<256x128xf32, #tpu.memory_space<vmem>> -> memref<240x128xf32, #tpu.memory_space<vmem>>
      tpu.wait_dma2 semaphore(%arg15 : memref<!tpu.dma_semaphore, #tpu.memory_space<semaphore_mem>>) src(%dma_wait3A_155 : memref<240x128xf32, #tpu.memory_space<vmem>>) dst(%dma_wait3A_153 : memref<240x128xf32, #tpu.memory_space<hbm>>)
      %dma_wait3A_156 = arith.constant 0 : i32
      %dma_wait3A_157 = tpu.memref_slice %arg10[%select_n3A_105, %dma_wait3A_156] : memref<256x128xf32, #tpu.memory_space<vmem>> -> memref<240x128xf32, #tpu.memory_space<vmem>>
      %dma_wait3A_158 = arith.constant 0 : i32
      %dma_wait3A_159 = tpu.memref_slice %arg6[%select_n3A_108, %dma_wait3A_158] : memref<8160x128xf32, #tpu.memory_space<hbm>> -> memref<240x128xf32, #tpu.memory_space<hbm>>
      %dma_wait3A_160 = arith.constant 0 : i32
      %dma_wait3A_161 = tpu.memref_slice %arg6[%select_n3A_108, %dma_wait3A_160] : memref<8160x128xf32, #tpu.memory_space<hbm>> -> memref<240x128xf32, #tpu.memory_space<hbm>>
      %dma_wait3A_162 = arith.constant 0 : i32
      %dma_wait3A_163 = tpu.memref_slice %arg10[%select_n3A_105, %dma_wait3A_162] : memref<256x128xf32, #tpu.memory_space<vmem>> -> memref<240x128xf32, #tpu.memory_space<vmem>>
      tpu.wait_dma2 semaphore(%arg15 : memref<!tpu.dma_semaphore, #tpu.memory_space<semaphore_mem>>) src(%dma_wait3A_163 : memref<240x128xf32, #tpu.memory_space<vmem>>) dst(%dma_wait3A_161 : memref<240x128xf32, #tpu.memory_space<hbm>>)
    } else {
    }
    %or3A_142 = arith.ori %eq3A_1, %eq3A_3 : i1
    %not3A_143 = arith.constant true
    %not3A_144 = arith.xori %or3A_142, %not3A_143 : i1
    %convert_element_type3A_145 = arith.extui %not3A_144 : i1 to i32
    %cond3A_146 = arith.constant 0 : i32
    %cond3A_147 = arith.cmpi ne, %convert_element_type3A_145, %cond3A_146 : i32
    scf.if %cond3A_147 {
      %sub3A = arith.constant 16 : i32
      %sub3A_148 = arith.subi %mul3A_5, %sub3A : i32
      "tpu.region"() ({
        %run_scoped3A = tpu.sem_alloc : memref<!tpu.dma_semaphore, #tpu.memory_space<semaphore_mem>>
        %dma_start3A_161 = arith.constant 0 : i32
        %dma_start3A_162 = tpu.memref_slice %arg7[%sub3A_148, %dma_start3A_161] : memref<8160x128xf32, #tpu.memory_space<hbm>> -> memref<256x128xf32, #tpu.memory_space<hbm>>
        %dma_start3A_163 = arith.constant 0 : i32
        %dma_start3A_164 = tpu.memref_slice %arg7[%sub3A_148, %dma_start3A_163] : memref<8160x128xf32, #tpu.memory_space<hbm>> -> memref<256x128xf32, #tpu.memory_space<hbm>>
        tpu.enqueue_dma source(%arg11 : memref<256x128xf32, #tpu.memory_space<vmem>>) target(%dma_start3A_164 : memref<256x128xf32, #tpu.memory_space<hbm>>) target_semaphore(%run_scoped3A : memref<!tpu.dma_semaphore, #tpu.memory_space<semaphore_mem>>)
        %dma_wait3A_165 = arith.constant 0 : i32
        %dma_wait3A_166 = tpu.memref_slice %arg7[%sub3A_148, %dma_wait3A_165] : memref<8160x128xf32, #tpu.memory_space<hbm>> -> memref<256x128xf32, #tpu.memory_space<hbm>>
        %dma_wait3A_167 = arith.constant 0 : i32
        %dma_wait3A_168 = tpu.memref_slice %arg7[%sub3A_148, %dma_wait3A_167] : memref<8160x128xf32, #tpu.memory_space<hbm>> -> memref<256x128xf32, #tpu.memory_space<hbm>>
        tpu.wait_dma2 semaphore(%run_scoped3A : memref<!tpu.dma_semaphore, #tpu.memory_space<semaphore_mem>>) src(%arg11 : memref<256x128xf32, #tpu.memory_space<vmem>>) dst(%dma_wait3A_168 : memref<256x128xf32, #tpu.memory_space<hbm>>)
        tpu.yield
      }) : () -> ()
      %sub3A_149 = arith.constant 16 : i32
      %sub3A_150 = arith.subi %mul3A_5, %sub3A_149 : i32
      %dma_wait3A_151 = arith.constant 0 : i32
      %dma_wait3A_152 = tpu.memref_slice %arg5[%sub3A_150, %dma_wait3A_151] : memref<8160x128xf32, #tpu.memory_space<hbm>> -> memref<256x128xf32, #tpu.memory_space<hbm>>
      %dma_wait3A_153 = arith.constant 0 : i32
      %dma_wait3A_154 = tpu.memref_slice %arg5[%sub3A_150, %dma_wait3A_153] : memref<8160x128xf32, #tpu.memory_space<hbm>> -> memref<256x128xf32, #tpu.memory_space<hbm>>
      tpu.wait_dma2 semaphore(%arg15 : memref<!tpu.dma_semaphore, #tpu.memory_space<semaphore_mem>>) src(%arg10 : memref<256x128xf32, #tpu.memory_space<vmem>>) dst(%dma_wait3A_154 : memref<256x128xf32, #tpu.memory_space<hbm>>)
      %sub3A_155 = arith.constant 16 : i32
      %sub3A_156 = arith.subi %mul3A_5, %sub3A_155 : i32
      %dma_wait3A_157 = arith.constant 0 : i32
      %dma_wait3A_158 = tpu.memref_slice %arg6[%sub3A_156, %dma_wait3A_157] : memref<8160x128xf32, #tpu.memory_space<hbm>> -> memref<256x128xf32, #tpu.memory_space<hbm>>
      %dma_wait3A_159 = arith.constant 0 : i32
      %dma_wait3A_160 = tpu.memref_slice %arg6[%sub3A_156, %dma_wait3A_159] : memref<8160x128xf32, #tpu.memory_space<hbm>> -> memref<256x128xf32, #tpu.memory_space<hbm>>
      tpu.wait_dma2 semaphore(%arg15 : memref<!tpu.dma_semaphore, #tpu.memory_space<semaphore_mem>>) src(%arg10 : memref<256x128xf32, #tpu.memory_space<vmem>>) dst(%dma_wait3A_160 : memref<256x128xf32, #tpu.memory_space<hbm>>)
    } else {
    }
    return
  }
}

</mosaic_0001>

<sc_bundles>
// kernel: kernel.3.cloned.1.call-start
scs
__scs_entry_jumppad:
0x0: {  	(pc) =	sbr.rel $0x88, $3  }
0x1: {  	(tag) =	ssettag $0x0;
	lr =	simm.s32 $0x1  }
0x2: {  	[smem:$0x3F9E] =	sst lr;
	_ =	strace $0xD0000000  }
0x3: {  	_ = 	snop  }
0x4: {  	_ = 	snop  }
0x5: {  	_ = 	snop  }
0x6: {  	_ = 	snop  }
0x7: {  	_ = 	snop  }
__scs_overlays_trampoline_lowered:
0x8: {  	[smem:$0x3FAD] =	sst s0  }
0x9: {  	[smem:$0x3FAE] =	sst s1  }
0xa: {  	[smem:$0x3FAF] =	sst s2  }
0xb: {  	[smem:$0x3FB0] =	sst s3  }
0xc: {  	[smem:$0x3FB1] =	sst s4  }
0xd: {  	[smem:$0x3FB2] =	sst s5  }
0xe: {  	[smem:$0x3FB3] =	sst s6  }
0xf: {  	[smem:$0x3FB4] =	sst s7  }
0x10: {  	[smem:$0x3FB5] =	sst s8  }
0x11: {  	[smem:$0x3FB6] =	sst s9;
	s0 =	simm.s32 @!p0 $0x0  }
0x12: {  	s1 =	sld [smem:$0x3F9C];
	s0 =	simm.s32 @p0 $0x1  }
0x13: {  	[smem:$0x3FB7] =	sst s0;
	s0 =	simm.s32 @!p1 $0x0  }
0x14: {  	s2 =	sld [smem:$0x3F9B];
	s0 =	simm.s32 @p1 $0x1  }
0x15: {  	[smem:$0x3FB8] =	sst s0;
	s0 =	simm.s32 @!p2 $0x0  }
0x16: {  	s3 =	sld [smem:$0x3FDB];
	s0 =	simm.s32 @p2 $0x1  }
0x17: {  	s4 =	simm.s32 $0x1BF5;
	[smem:$0x3FBA] =	sst s0  }
0x18: {  	s0 =	sld [smem:$0x3F9D];
	_ =	swait.ge [sflag:s4], $0x0  }
0x19: {  	s7 =	sld [smem:$0x3F9E]  }
0x1a: {  	s8 =	sadd.s32 $0xFFFFE003, lr  }
0x1b: {  	s9 =	sadd.s32 $0xFFFFFEF7, lr;
	s5 =	simm.s32 $0xFFFFFFFF;
	p2 =	slt.u32 s8, $0xFFFFF086  }
0x1c: {  	p1 =	slt.u32 s9, $0xF7A;
	s5 =	simm.s32 @!p2 $0x0  }
0x1d: {  	s5 =	simm.s32 @p1 $0x1;
	p0 =	seq.s32 s7, s2  }
0x1e: {  	s7 =	smul.u32 @!p0 $0xF7A, s2;
	p2 =	seq.s32 @!p0 s5, $0x0  }
0x1f: {  	s9 =	smul.u32 $0xF7A, s1;
	s8 =	simm.s32 @!p0 $0x1BF5;
	p2 =	por !p2, p0  }
0x20: {  	[sflag:s8] =	ssyncset.s32 @!p0 $0xFFFFF086;
	s6 =	sadd.s32 @!p0 s3, s7;
	s7 =	simm.s32 @!p0 $0x108  }
0x21: {  	s3 =	sadd.s32 s3, s9;
	s6 =	sadd.s32 @!p0 $0x88, s6;
	s7 =	simm.s32 @p2 $0x1082  }
0x22: {  	[simem:s7], [sflag:s8] =	dma.local @!p0 [hbm:s6], $0xF7A  }
0x23: {  	s9 =	sor.u32 $0xD0000000, s2;
	s6 =	simm.s32 $0x108;
	_ =	swait.ge @!p0 [sflag:s8], $0x0  }
0x24: {  	s3 =	sadd.s32 $0x88, s3;
	s6 =	simm.s32 @!p1 $0x1082;
	[sflag:s4] =	ssyncset.s32 $0xFFFFF086  }
0x25: {  	[simem:s6], [sflag:s4] =	dma.local [hbm:s3], $0xF7A  }
0x26: {  	[smem:$0x3F9E] =	sst s1;
	(tag) =	ssettag s2;
	_ =	strace s9  }
0x27: {  	s1 =	sld [smem:$0x3FAE]  }
0x28: {  	s2 =	sld [smem:$0x3FAF]  }
0x29: {  	s4 =	sld [smem:$0x3FB1]  }
0x2a: {  	p0 =	seq.s32 s5, $0x0;
	s5 =	sld [smem:$0x3FB2]  }
0x2b: {  	s6 =	sld [smem:$0x3FB3]  }
0x2c: {  	s7 =	sld [smem:$0x3FB4]  }
0x2d: {  	s3 =	simm.s32 $0x108;
	s8 =	sld [smem:$0x3FB5]  }
0x2e: {  	s3 =	simm.s32 @!p0 $0x1082;
	s9 =	sld [smem:$0x3FB6]  }
0x2f: {  	lr =	sadd.s32 s0, s3;
	s0 =	sld [smem:$0x3FAD]  }
0x30: {  	s3 =	sld [smem:$0x3FB0]  }
0x31: {  	[smem:$0x3FB9] =	sst s10  }
0x32: {  	s10 =	sld [smem:$0x3FB7];
	_ =	sdelay $0x3  }
0x33: {  	p0 =	seq.s32 s10, $0x1;
	s10 =	sld [smem:$0x3FB9];
	_ =	sdelay $0x3  }
0x34: {  	[smem:$0x3FB9] =	sst s10  }
0x35: {  	s10 =	sld [smem:$0x3FB8];
	_ =	sdelay $0x3  }
0x36: {  	p1 =	seq.s32 s10, $0x1;
	s10 =	sld [smem:$0x3FB9];
	_ =	sdelay $0x3  }
0x37: {  	[smem:$0x3FB9] =	sst s10  }
0x38: {  	s10 =	sld [smem:$0x3FBA]  }
0x39: {  	_ = 	snop;
	(pc) =	sbr.ind lr, $3  }
0x3a: {  	_ = 	snop  }
0x3b: {  	_ = 	snop  }
0x3c: {  	p2 =	seq.s32 s10, $0x1;
	s10 =	sld [smem:$0x3FB9]  }
0x3d: {  	_ =	shalt  }
0x3e: {  	_ =	shalt  }
0x3f: {  	_ =	shalt  }
0x40: {  	_ =	shalt  }
0x41: {  	_ =	shalt  }
0x42: {  	_ =	shalt  }
0x43: {  	_ =	shalt  }
0x44: {  	_ =	shalt  }
0x45: {  	_ =	shalt  }
0x46: {  	_ =	shalt  }
0x47: {  	_ =	shalt  }
0x48: {  	_ =	shalt  }
0x49: {  	_ =	shalt  }
0x4a: {  	_ =	shalt  }
0x4b: {  	_ =	shalt  }
0x4c: {  	_ =	shalt  }
0x4d: {  	_ =	shalt  }
0x4e: {  	_ =	shalt  }
0x4f: {  	_ =	shalt  }
0x50: {  	_ =	shalt  }
0x51: {  	_ =	shalt  }
0x52: {  	_ =	shalt  }
0x53: {  	_ =	shalt  }
0x54: {  	_ =	shalt  }
0x55: {  	_ =	shalt  }
0x56: {  	_ =	shalt  }
0x57: {  	_ =	shalt  }
0x58: {  	_ =	shalt  }
0x59: {  	_ =	shalt  }
0x5a: {  	_ =	shalt  }
0x5b: {  	_ =	shalt  }
0x5c: {  	_ =	shalt  }
0x5d: {  	_ =	shalt  }
0x5e: {  	_ =	shalt  }
0x5f: {  	_ =	shalt  }
0x60: {  	_ =	shalt  }
0x61: {  	_ =	shalt  }
0x62: {  	_ =	shalt  }
0x63: {  	_ =	shalt  }
0x64: {  	_ =	shalt  }
0x65: {  	_ =	shalt  }
0x66: {  	_ =	shalt  }
0x67: {  	_ =	shalt  }
0x68: {  	_ =	shalt  }
0x69: {  	_ =	shalt  }
0x6a: {  	_ =	shalt  }
0x6b: {  	_ =	shalt  }
0x6c: {  	_ =	shalt  }
0x6d: {  	_ =	shalt  }
0x6e: {  	_ =	shalt  }
0x6f: {  	_ =	shalt  }
0x70: {  	_ =	shalt  }
0x71: {  	_ =	shalt  }
0x72: {  	_ =	shalt  }
0x73: {  	_ =	shalt  }
0x74: {  	_ =	shalt  }
0x75: {  	_ =	shalt  }
0x76: {  	_ =	shalt  }
0x77: {  	_ =	shalt  }
0x78: {  	_ =	shalt  }
0x79: {  	_ =	shalt  }
0x7a: {  	_ =	shalt  }
0x7b: {  	_ =	shalt  }
0x7c: {  	_ =	shalt  }
0x7d: {  	_ =	shalt  }
0x7e: {  	_ =	shalt  }
0x7f: {  	_ =	shalt  }
0x80: {  	_ =	shalt  }
0x81: {  	_ =	shalt  }
0x82: {  	_ =	shalt  }
0x83: {  	_ =	shalt  }
0x84: {  	_ =	shalt  }
0x85: {  	_ =	shalt  }
0x86: {  	_ =	shalt  }
0x87: {  	_ =	shalt  }
.Lfunc_end0:
.L_simem_size_0:
called_computation_lowered:
.L_overlay_start_0:
0x88: {  	s2 =	sld [smem:$0x3FD9]  }
0x89: {  	s3 =	sld [smem:$0x3FFE];
	_ =	sdelay $0x1  }
0x8a: {  	s1 =	srdreg.scid  }
0x8b: {  	s0 =	sand.u32 $0x1, s1  }
0x8c: {  	s14 =	sshll.u32 s0, $0xA;
	s2 =	sadd.s32 s3, s2  }
0x8d: {  	s2 =	sadd.s32 s2, s14  }
0x8e: {  	[smem:$0x3FC5] =	sst s2  }
0x8f: {  	_ = 	snop  }
0x90: {  	s2 =	sld [smem:$0x3FD0];
	_ =	sdelay $0x1  }
0x91: {  	s15 =	sld [smem:$0x3FC8]  }
0x92: {  	s5 =	simm.s32 $0xA;
	s6 =	simm.s32 $0x10;
	s4 =	sld [smem:$0x3FC7]  }
0x93: {  	[smem:s6], [sflag:s5] =	dma.local [hbm:s2], $0x1  }
0x94: {  	_ =	swait.eq [sflag:s5], $0x1  }
0x95: {  	s16 =	sld [smem:$0x10]  }
0x96: {  	s17 =	sld [smem:$0x11];
	[sflag:s5] =	ssyncset.done $0x0  }
0x97: {  	s7 =	sld [smem:$0x13];
	[sflag:s5] =	ssyncadd.s32 $0xFFFFFFFF  }
0x98: {  	s18 =	sld [smem:$0x14];
	(tm) =	ssettm $0x1  }
0x99: {  	s8 =	sld [smem:$0x3FFB];
	_ =	sdelay $0x3  }
0x9a: {  	_ =	strace s8  }
0x9b: {  	s8 =	sld [smem:$0x3FFC];
	_ =	sdelay $0x3  }
0x9c: {  	_ =	strace s8  }
0x9d: {  	s8 =	sld [smem:$0x3FFD];
	_ =	sdelay $0x3  }
0x9e: {  	_ =	strace s8  }
0x9f: {  	_ =	strace $0x8FFFFFFF  }
0xa0: {  	s19 =	sld [smem:$0x3FDB];
	_ =	sdelay $0x1  }
0xa1: {  	s9 =	simm.s32 $_scs_section_size  }
0xa2: {  	s10 =	simm.s32 $_size__tile_overlayer_lowered;
	s11 =	simm.s32 $_tile_overlayer_lowered  }
0xa3: {  	s22 =	simm.s32 $0x1BFF;
	s21 =	sshll.u32 s11, $0x1;
	s8 =	sadd.s32 s9, s19  }
0xa4: {  	s12 =	simm.s32 $0x0;
	s20 =	sshll.u32 s10, $0x1;
	s10 =	sadd.s32 s21, s8  }
0xa5: {  	[timem:s12], [sflag:s22] =	dma.local [hbm:s10], s20  }
0xa6: {  	_ =	swait.ge [sflag:s22], s20  }
0xa7: {  	s9 =	ssub.s32 $0x0, s20;
	[sflag:s22] =	ssyncset.done $0x0  }
0xa8: {  	[sflag:s22] =	ssyncadd.s32 s9;
	_ =	sdelay $0x1  }
0xa9: {  	s23 =	simm.s32 $0x1B8B  }
0xaa: {  	_ =	swait.ge [sflag:s23], $0x1  }
0xab: {  	[sflag:s23] =	ssyncset.done $0x0  }
0xac: {  	s25 =	simm.s32 $0x1B8E;
	s24 =	sld [smem:$0x3FFE];
	[sflag:s23] =	ssyncadd.s32 $0xFFFFFFFF  }
0xad: {  	s26 =	simm.s32 $execute0_lowered;
	[smem:$0x3FD2] =	sst s25  }
0xae: {  	s10 =	sshll.u32 s26, $0x1;
	_ =	strace $0x80000046;
	[dreg:$0x1] =	wrdreg $0xFFFFFFFF  }
0xaf: {  	s28 =	simm.s32 $_size_execute0_lowered;
	s8 =	sadd.s32 s8, s10;
	[dreg:$0x0] =	wrdreg $0x0  }
0xb0: {  	s10 =	sshll.u32 s28, $0x1;
	[dreg:$0x2] =	wrdreg s8  }
0xb1: {  	[dreg:$0x3] =	wrdreg s10  }
0xb2: {  	[dreg:$0x4] =	wrdreg $0xC0  }
0xb3: {  	_ =	task [dreg:s12], $0x5FFFF  }
0xb4: {  	[dreg:$0x1] =	wrdreg $0xFFFFFFFF  }
0xb5: {  	[dreg:$0x0] =	wrdreg $0x60  }
0xb6: {  	[dreg:$0x2] =	wrdreg s15  }
0xb7: {  	[dreg:$0x3] =	wrdreg s4  }
0xb8: {  	[dreg:$0x4] =	wrdreg s24  }
0xb9: {  	[dreg:$0x5] =	wrdreg s7  }
0xba: {  	[dreg:$0x6] =	wrdreg s17  }
0xbb: {  	[dreg:$0x7] =	wrdreg s18  }
0xbc: {  	[dreg:$0x8] =	wrdreg s16  }
0xbd: {  	[dreg:$0x9] =	wrdreg $0x9  }
0xbe: {  	_ =	task.clear_ibuf [dreg:s12], $0xAFFFF;
	_ =	strace $0x90000046  }
0xbf: {  	s29 =	simm.s32 $0x9;
	_ =	strace $0x80000048  }
0xc0: {  	_ =	swait.ge [sflag:s29], $0x1  }
0xc1: {  	[sflag:s29] =	ssyncadd.s32 $0xFFFFFFFF  }
0xc2: {  	_ =	strace $0x90000048  }
0xc3: {  	_ =	sfence  }
0xc4: {  	s30 =	sld [smem:$0x0];
	_ =	sdelay $0x2  }
0xc5: {  	s31 =	sshll.u32 s1, $0xD;
	s1 =	sshrl.u32 s1, $0x2  }
0xc6: {  	s3 =	sand.u32 $0x4000, s31;
	s1 =	sadd.s32 s1, s30  }
0xc7: {  	s0 =	sor.u32 s3, s0;
	s1 =	sshll.u32 s1, $0x11  }
0xc8: {  	s0 =	sor.u32 s1, s0  }
0xc9: {  	s0 =	sadd.s32 $0x8F2B, s0  }
0xca: {  	[sflag:s0] =	ssyncadd.remote.s32 $0x1  }
0xcb: {  	_ =	sfence.sel $0xFFFF  }
0xcc: {  	[dreg:$0x0] =	wrdreg $0xFFFFFFFF;
	(pc) =	sbr.abs _section_cstart, $3  }
0xcd: {  	[dreg:$0x1] =	wrdreg $0xFFFFFFFF  }
0xce: {  	_ =	task.clear_ibuf [dreg:s12], $0x2FFFF;
	_ =	strace $0x9FFFFFFF  }
0xcf: {  	(tm) =	ssettm $0x7FFFFFFF  }
tec
execute0_lowered:
.L_overlay_start_1:
0x0: {  	(tag) =	ssettag $0x1  }
0x1: {  	s0 =	rddreg [dreg:$0x0]  }
0x2: {  	s2 =	rddreg [dreg:$0x1]  }
0x3: {  	s6 =	rddreg [dreg:$0x2]  }
0x4: {  	s11 =	rddreg [dreg:$0x3]  }
0x5: {  	s12 =	rddreg [dreg:$0x4]  }
0x6: {  	s15 =	rddreg [dreg:$0x5]  }
0x7: {  	s4 =	rddreg [dreg:$0x6]  }
0x8: {  	s1 =	rddreg [dreg:$0x7]  }
0x9: {  	s7 =	srdreg.scid;
	s3 =	stileid.u32;
	s5 =	simm.s32 $0x0  }
0xa: {  	s13 =	simm.s32 $0x800;
	s14 =	simm.s32 $0x0;
	s18 =	simm.s32 $0x1  }
0xb: {  	s19 =	simm.s32 $0x100;
	s20 =	simm.s32 $0x8100;
	s21 =	simm.s32 $0x4100  }
0xc: {  	s22 =	simm.s32 $0xC100;
	s23 =	simm.s32 $0x2;
	s24 =	simm.s32 $0x3  }
0xd: {  	s26 =	simm.s32 $0x4;
	s7 =	sand.u32 $0x1, s7;
	s8 =	sshll.u32 s3, $0x1  }
0xe: {  	s28 =	simm.s32 $0x900;
	[smem:$0x7FF] =	sst s5;
	s25 =	sor.u32 s7, s8  }
0xf: {  	s7 =	ssub.s32 $0x2, s7;
	_ =	strace $0x80000047;
	s8 =	sshll.u32 s25, $0x5  }
0x10: {  	s9 =	sshrl.u32 s7, $0x1;
	p0 =	seq.s32 s25, $0x0;
	s31 =	sshll.u32 s25, $0xF  }
0x11: {  	p2 =	sne.s32 s25, $0x0;
	s8 =	sadd.s32 s8, s6;
	s16 =	ssub.s32 s7, s9  }
0x12: {  	s13 =	simm.s32 @!p0 $0x0;
	s14 =	simm.s32 @!p0 $0x1EF00;
	s17 =	sadd.s32 $0xFFFFF800, s31  }
0x13: {  	p0 =	seq.s32 s25, $0x1F;
	s6 =	sadd.s32 $0x800, s8;
	s7 =	sadd.s32 $0x810, s8  }
.Ltmp0:
0x14: {  	s8 =	sor.u32 $0x100, s13;
	s9 =	sadd.s32 s11, s14;
	(pc) =	sbr.rel .LBB2_1-.Ltmp0, $4  }
0x15: {  	s10 =	sadd.s32 s12, s14;
	s17 =	sshrl.u32 s17, $0x3;
	s13 =	sor.u32 $0x8100, s13  }
0x16: {  	s14 =	sadd.s32 s15, s14;
	s16 =	smax.u32 s16, $0x1;
	p1 =	sne.s32 @!p0 s25, $0x0  }
0x17: {  	s25 =	simm.s32 $0x5;
	s11 =	sadd.s32 s11, s17;
	s12 =	sadd.s32 s12, s17  }
0x18: {  	s15 =	sadd.s32 s15, s17;
	s17 =	simm.s32 $0x80;
	p1 =	por p0, !p1  }
.LBB2_3:
0x19: {  	[hbm4b:s4+s5] =	stream.linear.scatter [tilespmem:s28], [sflag:$0x5], $0x800, $0x38;
	[tilespmem:$0x10100] =	vst v63  }
0x1a: {  	_ =	swait.ge [sflag:s25], $0x800  }
0x1b: {  	[sflag:s25] =	ssyncset.done $0x0  }
0x1c: {  	[sflag:s25] =	ssyncadd.s32 $0xFFFFF800  }
.LBB2_4:
0x1d: {  	[hbm4b:s9+s5] =	stream.linear.scatter [tilespmem:s8], [sflag:$0x4], $0x7800, $0x38;
	[tilespmem:$0x10100] =	vst v63  }
0x1e: {  	_ = 	snop  }
0x1f: {  	[hbm4b:s10+s5] =	stream.linear.scatter [tilespmem:s8], [sflag:$0x4], $0x7800, $0x38;
	[tilespmem:$0x10100] =	vst v63  }
.LBB2_6:
0x20: {  	_ =	swait.ge [sflag:s24], $0x4000  }
0x21: {  	[sflag:s24] =	ssyncset.done $0x0  }
0x22: {  	[sflag:s24] =	ssyncadd.s32 $0xFFFFC000  }
0x23: {  	_ =	swait.ge [sflag:s24], $0x4000  }
0x24: {  	[sflag:s24] =	ssyncset.done $0x0  }
0x25: {  	[sflag:s24] =	ssyncadd.s32 $0xFFFFC000  }
0x26: {  	[hbm4b:s15+s5] =	stream.linear.scatter @!p1 [tilespmem:s20], [sflag:$0x5], $0x8000, $0x38;
	[tilespmem:$0x10100] =	vst v63  }
0x27: {  	_ =	swait.ge @!p1 [sflag:s25], $0x8000  }
0x28: {  	[sflag:s25] =	ssyncset.done @!p1 $0x0  }
0x29: {  	[sflag:s25] =	ssyncadd.s32 @!p1 $0xFFFF8000  }
0x2a: {  	_ =	swait.ge @!p1 [sflag:s26], $0x8000  }
0x2b: {  	[sflag:s26] =	ssyncset.done @!p1 $0x0  }
0x2c: {  	[sflag:s26] =	ssyncadd.s32 @!p1 $0xFFFF8000  }
0x2d: {  	_ =	swait.ge @!p1 [sflag:s26], $0x8000  }
0x2e: {  	[sflag:s26] =	ssyncset.done @!p1 $0x0  }
0x2f: {  	[sflag:s26] =	ssyncadd.s32 @!p1 $0xFFFF8000  }
0x30: {  	[hbm4b:s14+s5] =	stream.linear.scatter @p1 [tilespmem:s13], [sflag:$0x5], $0x7800, $0x38;
	[tilespmem:$0x10100] =	vst v63  }
0x31: {  	_ =	swait.ge @p1 [sflag:s25], $0x7800  }
0x32: {  	[sflag:s25] =	ssyncset.done @p1 $0x0  }
0x33: {  	s16 =	sadd.s32 $0xFFFFFFFF, s16;
	[sflag:s25] =	ssyncadd.s32 @p1 $0xFFFF8800  }
0x34: {  	p3 =	sne.s32 s16, $0x0;
	_ =	swait.ge @p1 [sflag:s26], $0x7800  }
.Ltmp1:
0x35: {  	[sflag:s26] =	ssyncset.done @p1 $0x0;
	(pc) =	sbr.rel @!p3 .LBB2_7-.Ltmp1, $4  }
0x36: {  	[sflag:s26] =	ssyncadd.s32 @p1 $0xFFFF8800  }
0x37: {  	_ =	swait.ge @p1 [sflag:s26], $0x7800  }
0x38: {  	[sflag:s26] =	ssyncset.done @p1 $0x0  }
0x39: {  	[sflag:s26] =	ssyncadd.s32 @p1 $0xFFFF8800  }
.LBB2_1:
0x3a: {  	[tilespmem:s5], [sflag:$0x1] =	stream.linear.gather [hbm4b:s6+s5], $0x80, $0x38;
	[tilespmem:$0x10100] =	vst v63  }
0x3b: {  	_ = 	snop  }
0x3c: {  	[tilespmem:s17], [sflag:$0x1] =	stream.linear.gather [hbm4b:s7+s5], $0x80, $0x38;
	[tilespmem:$0x10100] =	vst v63  }
0x3d: {  	_ =	swait.ge [sflag:s18], $0x80  }
0x3e: {  	[sflag:s18] =	ssyncset.done $0x0  }
0x3f: {  	[sflag:s18] =	ssyncadd.s32 $0xFFFFFF80  }
0x40: {  	[tilespmem:s19], [sflag:$0x2] =	stream.indirect.gather [hbm4b:s0+s17], $0x80, s5, s17, $0xb8;
	[tilespmem:$0x10100] =	vst v63  }
0x41: {  	_ = 	snop  }
0x42: {  	[tilespmem:s20], [sflag:$0x3] =	stream.indirect.gather [hbm4b:s2+s17], $0x80, s5, s17, $0xb8;
	[tilespmem:$0x10100] =	vst v63  }
0x43: {  	_ =	swait.ge [sflag:s18], $0x80  }
0x44: {  	[sflag:s18] =	ssyncset.done $0x0  }
0x45: {  	[sflag:s18] =	ssyncadd.s32 $0xFFFFFF80  }
0x46: {  	[tilespmem:s21], [sflag:$0x2] =	stream.indirect.gather [hbm4b:s0+s17], $0x80, s17, s17, $0xb8;
	[tilespmem:$0x10100] =	vst v63  }
0x47: {  	_ = 	snop  }
0x48: {  	[tilespmem:s22], [sflag:$0x3] =	stream.indirect.gather [hbm4b:s2+s17], $0x80, s17, s17, $0xb8;
	[tilespmem:$0x10100] =	vst v63  }
0x49: {  	_ =	swait.ge [sflag:s23], $0x4000  }
.Ltmp2:
0x4a: {  	[sflag:s23] =	ssyncset.done $0x0;
	(pc) =	sbr.rel @p0 .LBB2_4-.Ltmp2, $4  }
0x4b: {  	[sflag:s23] =	ssyncadd.s32 $0xFFFFC000  }
0x4c: {  	_ =	swait.ge [sflag:s23], $0x4000  }
0x4d: {  	[sflag:s23] =	ssyncset.done $0x0  }
0x4e: {  	[sflag:s23] =	ssyncadd.s32 $0xFFFFC000  }
.Ltmp3:
0x4f: {  	(pc) =	sbr.rel @!p2 .LBB2_3-.Ltmp3, $1  }
0x50: {  	_ =	sdelay $0x3  }
.Ltmp4:
0x51: {  	(pc) =	sbr.rel .LBB2_6-.Ltmp4, $4  }
0x52: {  	_ = 	snop  }
0x53: {  	[hbm4b:s11+s5] =	stream.linear.scatter [tilespmem:s19], [sflag:$0x4], $0x8000, $0x38;
	[tilespmem:$0x10100] =	vst v63  }
0x54: {  	_ = 	snop  }
0x55: {  	[hbm4b:s12+s5] =	stream.linear.scatter [tilespmem:s19], [sflag:$0x4], $0x8000, $0x38;
	[tilespmem:$0x10100] =	vst v63  }
.LBB2_7:
0x56: {  	_ =	sfence.sel $0x180000  }
0x57: {  	[bflag:$0x0] =	sbarrier.arrive $0xFFFF  }
0x58: {  	p0 =	sne.s32 s3, $0x0;
	_ =	strace $0x90000047  }
0x59: {  	s0 =	sadd.s32 @!p0 $0x100000, s1;
	[bflag:$0x2] =	sbarrier.arrive $0xFFFF  }
0x5a: {  	[sflag:s0] =	ssyncadd.tile.s32 @!p0 $0x1;
	_ =	shalt  }
.Lfunc_end2:
_tile_overlayer_lowered:
.L_overlay_start_2:
0x5b: {  	(tag) =	ssettag $0x2  }
0x5c: {  	s0 =	rddreg [dreg:$0x0];
	s2 =	stileid.u32  }
0x5d: {  	s1 =	rddreg [dreg:$0x1];
	p0 =	sne.s32 s2, $0x0  }
0x5e: {  	s3 =	rddreg [dreg:$0x2];
	[bflag:$0x3] =	sbarrier.arrive $0xFFFF;
	s2 =	simm.s32 @!p0 $0x1C05  }
0x5f: {  	[timem:s3], [sflag:s2] =	dma.local @!p0 [hbm:s0], s1  }
0x60: {  	s0 =	simm.s32 @!p0 $0x5  }
0x61: {  	_ =	swait.ge @!p0 [sflag:s0], s1  }
0x62: {  	s1 =	ssub.s32 @!p0 $0x0, s1;
	[sflag:s0] =	ssyncset.done @!p0 $0x0  }
0x63: {  	[sflag:s0] =	ssyncadd.s32 @!p0 s1  }
0x64: {  	[bflag:$0x3] =	sbarrier.arrive $0xFFFF  }
0x65: {  	_ =	shalt  }

</sc_bundles>
